<compile_context>
chip_gen: v7x
topology: tpu7x:2x2x1
jax: 0.10.2.dev20260603
libtpu: 0.0.44.dev20260713+nightly
codegen_flags: <defaults>
</compile_context>

<pallas_src>
import functools

import jax
import jax.numpy as jnp
from jax import lax
from jax.experimental import pallas as pl
from jax.experimental.pallas import tpu as pltpu
from jax.experimental.pallas import tpu_sc as plsc

B = 16384
C = 1000
BR = 256
NB = B // BR

_NC = 2
_NS = 16
_NW = _NC * _NS
_BPW = B // _NW


def _ce_body(lab_ref, y1_ref, y2_ref, o1_ref, o2_ref):
    lab = lab_ref[0]
    col = lax.broadcasted_iota(jnp.int32, (BR, C), 1)
    onehot = col == lab
    x1 = y1_ref[...]
    s1 = jnp.sum(jnp.exp(x1), axis=1, keepdims=True)
    g1 = jnp.sum(jnp.where(onehot, x1, 0.0), axis=1, keepdims=True)
    o1_ref[0] = jnp.log(s1) - g1
    x2 = y2_ref[...]
    s2 = jnp.sum(jnp.exp(x2), axis=1, keepdims=True)
    g2 = jnp.sum(jnp.where(onehot, x2, 0.0), axis=1, keepdims=True)
    o2_ref[0] = jnp.log(s2) - g2


def _ce_losses(y_1, y_2, y_noise, interpret=False):
    labs = y_noise.reshape(NB, BR, 1)
    out_shape = jax.ShapeDtypeStruct((NB, BR, 1), jnp.float32)
    l1, l2 = pl.pallas_call(
        _ce_body,
        grid=(NB,),
        in_specs=[
            pl.BlockSpec((1, BR, 1), lambda i: (i, 0, 0)),
            pl.BlockSpec((BR, C), lambda i: (i, 0)),
            pl.BlockSpec((BR, C), lambda i: (i, 0)),
        ],
        out_specs=[
            pl.BlockSpec((1, BR, 1), lambda i: (i, 0, 0)),
            pl.BlockSpec((1, BR, 1), lambda i: (i, 0, 0)),
        ],
        out_shape=[out_shape, out_shape],
        compiler_params=pltpu.CompilerParams(
            dimension_semantics=("arbitrary",),
        ),
        interpret=interpret,
    )(labs, y_1, y_2)
    return l1.reshape(B), l2.reshape(B)


def _sc_gather(noise_or_not, ind):
    mesh = plsc.VectorSubcoreMesh(core_axis_name="c", subcore_axis_name="s")

    @functools.partial(
        pl.kernel,
        out_type=jax.ShapeDtypeStruct((B,), jnp.int32),
        mesh=mesh,
        scratch_types=[
            pltpu.VMEM((_BPW,), jnp.int32),
            pltpu.VMEM((_BPW,), jnp.int32),
            pltpu.SemaphoreType.DMA,
        ],
    )
    def gather_kernel(noise_hbm, ind_hbm, out_hbm, idx_v, vals_v, sem):
        wid = lax.axis_index("s") * _NC + lax.axis_index("c")
        base = wid * _BPW
        pltpu.sync_copy(ind_hbm.at[pl.ds(base, _BPW)], idx_v)
        pltpu.async_copy(noise_hbm.at[idx_v], vals_v, sem).wait()
        pltpu.sync_copy(vals_v, out_hbm.at[pl.ds(base, _BPW)])

    return gather_kernel(noise_or_not, ind)


def _sel_body(k_ref, l1_ref, l2_ref, nn_ref, o1_ref, o2_ref, o3_ref, o4_ref):
    _MSB = jnp.int32(-2147483648)
    k = k_ref[0]
    l1 = l1_ref[...]
    l2 = l2_ref[...]
    nn = nn_ref[...]
    bits1 = lax.bitcast_convert_type(l1, jnp.int32)
    bits2 = lax.bitcast_convert_type(l2, jnp.int32)
    key1 = bits1 ^ ((bits1 >> 31) & jnp.int32(0x7FFFFFFF))
    key2 = bits2 ^ ((bits2 >> 31) & jnp.int32(0x7FFFFFFF))

    def vstep(i, carry):
        t1, t2 = carry
        bit = jnp.left_shift(jnp.int32(1), jnp.int32(31) - i)
        c1 = t1 | bit
        c2 = t2 | bit
        cnt1 = jnp.sum((key1 < (c1 ^ _MSB)).astype(jnp.int32))
        cnt2 = jnp.sum((key2 < (c2 ^ _MSB)).astype(jnp.int32))
        return (jnp.where(cnt1 < k, c1, t1), jnp.where(cnt2 < k, c2, t2))

    t1b, t2b = lax.fori_loop(0, 32, vstep, (jnp.int32(0), jnp.int32(0)))
    t1 = t1b ^ _MSB
    t2 = t2b ^ _MSB

    less1 = key1 < t1
    less2 = key2 < t2
    eq1 = key1 == t1
    eq2 = key2 == t2
    need1 = k - jnp.sum(less1.astype(jnp.int32))
    need2 = k - jnp.sum(less2.astype(jnp.int32))

    rows = l1.shape[0]
    cols = l1.shape[1]
    idx = (lax.broadcasted_iota(jnp.int32, (rows, cols), 0) * cols
           + lax.broadcasted_iota(jnp.int32, (rows, cols), 1))

    def istep(i, carry):
        j1, j2 = carry
        bit = jnp.left_shift(jnp.int32(1), jnp.int32(13) - i)
        c1 = j1 | bit
        c2 = j2 | bit
        cnt1 = jnp.sum((eq1 & (idx < c1)).astype(jnp.int32))
        cnt2 = jnp.sum((eq2 & (idx < c2)).astype(jnp.int32))
        return (jnp.where(cnt1 < need1, c1, j1), jnp.where(cnt2 < need2, c2, j2))

    j1, j2 = lax.fori_loop(0, 14, istep, (jnp.int32(0), jnp.int32(0)))

    kept1 = less1 | (eq1 & (idx <= j1))
    kept2 = less2 | (eq2 & (idx <= j2))
    kf = k.astype(jnp.float32)
    o1_ref[0, 0] = jnp.sum(jnp.where(kept2, l1, 0.0)) / kf
    o2_ref[0, 0] = jnp.sum(jnp.where(kept1, l2, 0.0)) / kf
    o3_ref[0, 0] = jnp.sum(jnp.where(kept1, nn, 0.0)) / kf
    o4_ref[0, 0] = jnp.sum(jnp.where(kept2, nn, 0.0)) / kf


def _select(loss_1, loss_2, nn_f, k_arr, interpret=False):
    scal = jax.ShapeDtypeStruct((1, 1), jnp.float32)
    return pl.pallas_call(
        _sel_body,
        in_specs=[
            pl.BlockSpec(memory_space=pltpu.SMEM),
            pl.BlockSpec((128, 128), lambda: (0, 0)),
            pl.BlockSpec((128, 128), lambda: (0, 0)),
            pl.BlockSpec((128, 128), lambda: (0, 0)),
        ],
        out_specs=[
            pl.BlockSpec(memory_space=pltpu.SMEM),
            pl.BlockSpec(memory_space=pltpu.SMEM),
            pl.BlockSpec(memory_space=pltpu.SMEM),
            pl.BlockSpec(memory_space=pltpu.SMEM),
        ],
        out_shape=[scal, scal, scal, scal],
        interpret=interpret,
    )(k_arr, loss_1.reshape(128, 128), loss_2.reshape(128, 128), nn_f)


def kernel(y_1, y_2, y_noise, forget_rate, ind, noise_or_not):
    loss_1, loss_2 = _ce_losses(y_1, y_2, y_noise)
    nn = _sc_gather(noise_or_not, ind)
    nn_f = nn.astype(jnp.float32).reshape(128, 128)
    remember_rate = 1.0 - forget_rate
    num_remember = jnp.floor(remember_rate * B).astype(jnp.int32)
    k_arr = num_remember.reshape(1)
    o1, o2, o3, o4 = _select(loss_1, loss_2, nn_f, k_arr)
    return (o1[0, 0], o2[0, 0], o3[0, 0], o4[0, 0])

# --- scband reference (transcript-rebuilt; emitter-appended) ---
"""Pipeline reference for scband-ctloss-35373350650547 (READ-ONLY COPY).

The authoritative reference and input builder live on the scoring server;
editing this copy changes nothing except your own understanding.
"""

import jax, jax.numpy as jnp
import numpy as np


def _ce_per_sample(logits, labels):
    logp = jax.nn.log_softmax(logits, axis=-1)
    return -jnp.take_along_axis(logp, labels[:, None], axis=-1)[:, 0]


def setup_inputs(seed: int = 0) -> dict:
    key = jax.random.key(seed)
    k1, k2, k3, k4, k5, k6 = jax.random.split(key, 6)
    B, C, N = 16384, 1000, 50000
    y_1 = jax.random.normal(k1, (B, C), dtype=jnp.float32)
    y_2 = jax.random.normal(k2, (B, C), dtype=jnp.float32)
    y_noise = jax.random.randint(k3, (B,), 0, C, dtype=jnp.int32)
    # forget_rate scalar in [0, 0.5) like typical co-teaching schedules
    forget_rate = jax.random.uniform(k4, (), dtype=jnp.float32, minval=0.0, maxval=0.5)
    ind = jax.random.randint(k5, (B,), 0, N, dtype=jnp.int32)
    noise_or_not = jax.random.randint(k6, (N,), 0, 2, dtype=jnp.int32)
    return {
        "y_1": y_1,
        "y_2": y_2,
        "y_noise": y_noise,
        "forget_rate": forget_rate,
        "ind": ind,
        "noise_or_not": noise_or_not,
    }


def reference(y_1, y_2, y_noise, forget_rate, ind, noise_or_not):
    loss_1 = _ce_per_sample(y_1, y_noise)
    ind_1_sorted = jnp.argsort(loss_1)
    loss_2 = _ce_per_sample(y_2, y_noise)
    ind_2_sorted = jnp.argsort(loss_2)

    B = loss_1.shape[0]
    remember_rate = 1.0 - forget_rate
    num_remember = jnp.floor(remember_rate * B).astype(jnp.int32)
    num_remember_f = num_remember.astype(jnp.float32)

    keep = jnp.arange(B) < num_remember

    pure_ratio_1 = jnp.sum(jnp.where(keep, noise_or_not[ind[ind_1_sorted]], 0)).astype(jnp.float32) / num_remember_f
    pure_ratio_2 = jnp.sum(jnp.where(keep, noise_or_not[ind[ind_2_sorted]], 0)).astype(jnp.float32) / num_remember_f

    # exchange: each network trains on the other's small-loss samples (mean CE)
    ce_1 = _ce_per_sample(y_1[ind_2_sorted], y_noise[ind_2_sorted])
    ce_2 = _ce_per_sample(y_2[ind_1_sorted], y_noise[ind_1_sorted])
    loss_1_update = jnp.sum(jnp.where(keep, ce_1, 0.0)) / num_remember_f
    loss_2_update = jnp.sum(jnp.where(keep, ce_2, 0.0)) / num_remember_f

    return (loss_1_update, loss_2_update, pure_ratio_1, pure_ratio_2)

if __name__ == "__main__":
    import jax
    _d = setup_inputs()
    print(jax.jit(kernel)(*tuple(_d.values())))

</pallas_src>

<mosaic_0001>
#map = affine_map<(d0, d1) -> (0)>
module attributes {stable_mosaic.version = 14 : i64} {
  func.func @gather_kernel(%arg0: i32, %arg1: i32, %arg2: memref<50000xi32, #tpu.memory_space<hbm>>, %arg3: memref<16384xi32, #tpu.memory_space<hbm>>, %arg4: memref<16384xi32, #tpu.memory_space<hbm>>, %arg5: memref<512xi32, #tpu.memory_space<vmem>>, %arg6: memref<512xi32, #tpu.memory_space<vmem>>, %arg7: memref<!tpu.dma_semaphore, #tpu.memory_space<semaphore_mem>>) attributes {dimension_semantics = [#tpu.dimension_semantics<core_parallel>, #tpu.dimension_semantics<subcore_parallel>], iteration_bounds = array<i64: 2, 16>, scalar_prefetch = 0 : i64, scratch_operands = 3 : i64, tpu.core_type = #tpu.core_type<sc_vector_subcore>, window_params = [{transform_indices = #map}, {transform_indices = #map}, {transform_indices = #map}]} {
    %mul3A = arith.constant 2 : i32
    %mul3A_0 = arith.muli %arg1, %mul3A : i32
    %add3A = arith.addi %mul3A_0, %arg0 : i32
    %mul3A_1 = arith.constant 512 : i32
    %mul3A_2 = arith.muli %add3A, %mul3A_1 : i32
    "tpu.region"() ({
      %run_scoped3A = tpu.sem_alloc : memref<!tpu.dma_semaphore, #tpu.memory_space<semaphore_mem>>
      %dma_start3A_5 = tpu.memref_slice %arg3[%mul3A_2] : memref<16384xi32, #tpu.memory_space<hbm>> -> memref<512xi32, #tpu.memory_space<hbm>>
      %dma_start3A_6 = tpu.memref_slice %arg3[%mul3A_2] : memref<16384xi32, #tpu.memory_space<hbm>> -> memref<512xi32, #tpu.memory_space<hbm>>
      tpu.enqueue_dma source(%dma_start3A_6 : memref<512xi32, #tpu.memory_space<hbm>>) target(%arg5 : memref<512xi32, #tpu.memory_space<vmem>>) target_semaphore(%run_scoped3A : memref<!tpu.dma_semaphore, #tpu.memory_space<semaphore_mem>>)
      %dma_wait3A_7 = tpu.memref_slice %arg3[%mul3A_2] : memref<16384xi32, #tpu.memory_space<hbm>> -> memref<512xi32, #tpu.memory_space<hbm>>
      %dma_wait3A_8 = tpu.memref_slice %arg3[%mul3A_2] : memref<16384xi32, #tpu.memory_space<hbm>> -> memref<512xi32, #tpu.memory_space<hbm>>
      tpu.wait_dma2 semaphore(%run_scoped3A : memref<!tpu.dma_semaphore, #tpu.memory_space<semaphore_mem>>) src(%dma_wait3A_8 : memref<512xi32, #tpu.memory_space<hbm>>) dst(%arg5 : memref<512xi32, #tpu.memory_space<vmem>>)
      tpu.yield
    }) : () -> ()
    %dma_start3A = arith.constant 0 : i32
    %dma_start3A_3 = tpu.memref_slice %arg2[%dma_start3A] : memref<50000xi32, #tpu.memory_space<hbm>> -> memref<50000xi32, #tpu.memory_space<hbm>>
    tpu.enqueue_indirect_dma source(%dma_start3A_3 : memref<50000xi32, #tpu.memory_space<hbm>>) target(%arg6 : memref<512xi32, #tpu.memory_space<vmem>>) offsets(%arg5 : memref<512xi32, #tpu.memory_space<vmem>>) semaphore(%arg7 : memref<!tpu.dma_semaphore, #tpu.memory_space<semaphore_mem>>)
    %dma_wait3A = arith.constant 0 : i32
    %dma_wait3A_4 = tpu.memref_slice %arg2[%dma_wait3A] : memref<50000xi32, #tpu.memory_space<hbm>> -> memref<50000xi32, #tpu.memory_space<hbm>>
    tpu.wait_indirect_dma semaphore(%arg7 : memref<!tpu.dma_semaphore, #tpu.memory_space<semaphore_mem>>) src(%dma_wait3A_4 : memref<50000xi32, #tpu.memory_space<hbm>>) dst(%arg6 : memref<512xi32, #tpu.memory_space<vmem>>)
    "tpu.region"() ({
      %run_scoped3A = tpu.sem_alloc : memref<!tpu.dma_semaphore, #tpu.memory_space<semaphore_mem>>
      %dma_start3A_5 = tpu.memref_slice %arg4[%mul3A_2] : memref<16384xi32, #tpu.memory_space<hbm>> -> memref<512xi32, #tpu.memory_space<hbm>>
      %dma_start3A_6 = tpu.memref_slice %arg4[%mul3A_2] : memref<16384xi32, #tpu.memory_space<hbm>> -> memref<512xi32, #tpu.memory_space<hbm>>
      tpu.enqueue_dma source(%arg6 : memref<512xi32, #tpu.memory_space<vmem>>) target(%dma_start3A_6 : memref<512xi32, #tpu.memory_space<hbm>>) target_semaphore(%run_scoped3A : memref<!tpu.dma_semaphore, #tpu.memory_space<semaphore_mem>>)
      %dma_wait3A_7 = tpu.memref_slice %arg4[%mul3A_2] : memref<16384xi32, #tpu.memory_space<hbm>> -> memref<512xi32, #tpu.memory_space<hbm>>
      %dma_wait3A_8 = tpu.memref_slice %arg4[%mul3A_2] : memref<16384xi32, #tpu.memory_space<hbm>> -> memref<512xi32, #tpu.memory_space<hbm>>
      tpu.wait_dma2 semaphore(%run_scoped3A : memref<!tpu.dma_semaphore, #tpu.memory_space<semaphore_mem>>) src(%arg6 : memref<512xi32, #tpu.memory_space<vmem>>) dst(%dma_wait3A_8 : memref<512xi32, #tpu.memory_space<hbm>>)
      tpu.yield
    }) : () -> ()
    return
  }
}

module attributes {stable_mosaic.version = 14 : i64} {
  func.func @_ce_body(%arg0: i32, %arg1: memref<1x256x1xi32, #tpu.memory_space<vmem>>, %arg2: memref<256x1000xf32, #tpu.memory_space<vmem>>, %arg3: memref<256x1000xf32, #tpu.memory_space<vmem>>, %arg4: memref<1x256x1xf32, #tpu.memory_space<vmem>>, %arg5: memref<1x256x1xf32, #tpu.memory_space<vmem>>) attributes {dimension_semantics = [#tpu.dimension_semantics<arbitrary>], iteration_bounds = array<i64: 64>, scalar_prefetch = 0 : i64, scratch_operands = 0 : i64, tpu.core_type = #tpu.core_type<tc>, window_params = [{transform_indices = @transform_0, window_bounds = array<i64: 1, 256, 1>}, {transform_indices = @transform_1, window_bounds = array<i64: 256, 1000>}, {transform_indices = @transform_2, window_bounds = array<i64: 256, 1000>}, {transform_indices = @transform_3, window_bounds = array<i64: 1, 256, 1>}, {transform_indices = @transform_4, window_bounds = array<i64: 1, 256, 1>}]} {
    %get3A = arith.constant 0 : index
    %get3A_0 = arith.constant 0 : index
    %get3A_1 = arith.constant 0 : index
    %get3A_2 = vector.load %arg1[%get3A, %get3A_0, %get3A_1] : memref<1x256x1xi32, #tpu.memory_space<vmem>>, vector<1x256x1xi32>
    %get3A_3 = vector.shape_cast %get3A_2 : vector<1x256x1xi32> to vector<256x1xi32>
    %iota3A = tpu.iota {dimensions = array<i32: 1>} : vector<256x1000xi32>
    %eq3A = vector.broadcast %get3A_3 : vector<256x1xi32> to vector<256x1000xi32>
    %eq3A_4 = arith.cmpi eq, %iota3A, %eq3A : vector<256x1000xi32>
    %get3A_5 = arith.constant 0 : index
    %get3A_6 = arith.constant 0 : index
    %get3A_7 = vector.load %arg2[%get3A_5, %get3A_6] : memref<256x1000xf32, #tpu.memory_space<vmem>>, vector<256x1000xf32>
    %exp3A = math.exp %get3A_7 : vector<256x1000xf32>
    %reduce_sum3A = arith.constant dense<0.000000e+00> : vector<256xf32>
    %reduce_sum3A_8 = vector.multi_reduction <add>, %exp3A, %reduce_sum3A [1] : vector<256x1000xf32> to vector<256xf32>
    %broadcast_in_dim3A = vector.shape_cast %reduce_sum3A_8 : vector<256xf32> to vector<256x1xf32>
    %jit3A = arith.constant 0.000000e+00 : f32
    %broadcast_in_dim3A_9 = vector.broadcast %jit3A : f32 to vector<256x1000xf32>
    %select_n3A = arith.select %eq3A_4, %get3A_7, %broadcast_in_dim3A_9 : vector<256x1000xi1>, vector<256x1000xf32>
    %reduce_sum3A_10 = arith.constant dense<0.000000e+00> : vector<256xf32>
    %reduce_sum3A_11 = vector.multi_reduction <add>, %select_n3A, %reduce_sum3A_10 [1] : vector<256x1000xf32> to vector<256xf32>
    %broadcast_in_dim3A_12 = vector.shape_cast %reduce_sum3A_11 : vector<256xf32> to vector<256x1xf32>
    %log3A = math.log %broadcast_in_dim3A : vector<256x1xf32>
    %sub3A = arith.subf %log3A, %broadcast_in_dim3A_12 : vector<256x1xf32>
    %swap3A = arith.constant 0 : index
    %swap3A_13 = arith.constant 0 : index
    %swap3A_14 = arith.constant 0 : index
    %swap3A_15 = vector.load %arg4[%swap3A, %swap3A_13, %swap3A_14] : memref<1x256x1xf32, #tpu.memory_space<vmem>>, vector<1x256x1xf32>
    %swap3A_16 = vector.shape_cast %swap3A_15 : vector<1x256x1xf32> to vector<256x1xf32>
    %swap3A_17 = vector.shape_cast %sub3A : vector<256x1xf32> to vector<1x256x1xf32>
    tpu.vector_store %arg4[%swap3A, %swap3A_13, %swap3A_14], %swap3A_17 {strides = array<i32>} : memref<1x256x1xf32, #tpu.memory_space<vmem>>, vector<1x256x1xf32>,
    %get3A_18 = arith.constant 0 : index
    %get3A_19 = arith.constant 0 : index
    %get3A_20 = vector.load %arg3[%get3A_18, %get3A_19] : memref<256x1000xf32, #tpu.memory_space<vmem>>, vector<256x1000xf32>
    %exp3A_21 = math.exp %get3A_20 : vector<256x1000xf32>
    %reduce_sum3A_22 = arith.constant dense<0.000000e+00> : vector<256xf32>
    %reduce_sum3A_23 = vector.multi_reduction <add>, %exp3A_21, %reduce_sum3A_22 [1] : vector<256x1000xf32> to vector<256xf32>
    %broadcast_in_dim3A_24 = vector.shape_cast %reduce_sum3A_23 : vector<256xf32> to vector<256x1xf32>
    %jit3A_25 = arith.constant 0.000000e+00 : f32
    %broadcast_in_dim3A_26 = vector.broadcast %jit3A_25 : f32 to vector<256x1000xf32>
    %select_n3A_27 = arith.select %eq3A_4, %get3A_20, %broadcast_in_dim3A_26 : vector<256x1000xi1>, vector<256x1000xf32>
    %reduce_sum3A_28 = arith.constant dense<0.000000e+00> : vector<256xf32>
    %reduce_sum3A_29 = vector.multi_reduction <add>, %select_n3A_27, %reduce_sum3A_28 [1] : vector<256x1000xf32> to vector<256xf32>
    %broadcast_in_dim3A_30 = vector.shape_cast %reduce_sum3A_29 : vector<256xf32> to vector<256x1xf32>
    %log3A_31 = math.log %broadcast_in_dim3A_24 : vector<256x1xf32>
    %sub3A_32 = arith.subf %log3A_31, %broadcast_in_dim3A_30 : vector<256x1xf32>
    %swap3A_33 = arith.constant 0 : index
    %swap3A_34 = arith.constant 0 : index
    %swap3A_35 = arith.constant 0 : index
    %swap3A_36 = vector.load %arg5[%swap3A_33, %swap3A_34, %swap3A_35] : memref<1x256x1xf32, #tpu.memory_space<vmem>>, vector<1x256x1xf32>
    %swap3A_37 = vector.shape_cast %swap3A_36 : vector<1x256x1xf32> to vector<256x1xf32>
    %swap3A_38 = vector.shape_cast %sub3A_32 : vector<256x1xf32> to vector<1x256x1xf32>
    tpu.vector_store %arg5[%swap3A_33, %swap3A_34, %swap3A_35], %swap3A_38 {strides = array<i32>} : memref<1x256x1xf32, #tpu.memory_space<vmem>>, vector<1x256x1xf32>,
    return
  }
  func.func @transform_0(%arg0: i32) -> (i32, i32, i32) {
    %c0_i32 = arith.constant 0 : i32
    %c0_i32_0 = arith.constant 0 : i32
    %c0_i32_1 = arith.constant 0 : i32
    return %arg0, %c0_i32, %c0_i32_0 : i32, i32, i32
  }
  func.func @transform_1(%arg0: i32) -> (i32, i32) {
    %c0_i32 = arith.constant 0 : i32
    %c0_i32_0 = arith.constant 0 : i32
    return %arg0, %c0_i32 : i32, i32
  }
  func.func @transform_2(%arg0: i32) -> (i32, i32) {
    %c0_i32 = arith.constant 0 : i32
    %c0_i32_0 = arith.constant 0 : i32
    return %arg0, %c0_i32 : i32, i32
  }
  func.func @transform_3(%arg0: i32) -> (i32, i32, i32) {
    %c0_i32 = arith.constant 0 : i32
    %c0_i32_0 = arith.constant 0 : i32
    %c0_i32_1 = arith.constant 0 : i32
    return %arg0, %c0_i32, %c0_i32_0 : i32, i32, i32
  }
  func.func @transform_4(%arg0: i32) -> (i32, i32, i32) {
    %c0_i32 = arith.constant 0 : i32
    %c0_i32_0 = arith.constant 0 : i32
    %c0_i32_1 = arith.constant 0 : i32
    return %arg0, %c0_i32, %c0_i32_0 : i32, i32, i32
  }
}

module attributes {stable_mosaic.version = 14 : i64} {
  func.func @_sel_body(%arg0: memref<1xi32, #tpu.memory_space<smem>>, %arg1: memref<128x128xf32, #tpu.memory_space<vmem>>, %arg2: memref<128x128xf32, #tpu.memory_space<vmem>>, %arg3: memref<128x128xf32, #tpu.memory_space<vmem>>, %arg4: memref<1x1xf32, #tpu.memory_space<smem>>, %arg5: memref<1x1xf32, #tpu.memory_space<smem>>, %arg6: memref<1x1xf32, #tpu.memory_space<smem>>, %arg7: memref<1x1xf32, #tpu.memory_space<smem>>) attributes {dimension_semantics = [], scalar_prefetch = 0 : i64, scratch_operands = 0 : i64, tpu.core_type = #tpu.core_type<tc>} {
    %get3A = arith.constant 0 : index
    %get3A_0 = memref.load %arg0[%get3A] : memref<1xi32, #tpu.memory_space<smem>>
    %get3A_1 = arith.constant 0 : index
    %get3A_2 = arith.constant 0 : index
    %get3A_3 = vector.load %arg1[%get3A_1, %get3A_2] : memref<128x128xf32, #tpu.memory_space<vmem>>, vector<128x128xf32>
    %get3A_4 = arith.constant 0 : index
    %get3A_5 = arith.constant 0 : index
    %get3A_6 = vector.load %arg2[%get3A_4, %get3A_5] : memref<128x128xf32, #tpu.memory_space<vmem>>, vector<128x128xf32>
    %get3A_7 = arith.constant 0 : index
    %get3A_8 = arith.constant 0 : index
    %get3A_9 = vector.load %arg3[%get3A_7, %get3A_8] : memref<128x128xf32, #tpu.memory_space<vmem>>, vector<128x128xf32>
    %bitcast_convert_type3A = tpu.bitcast %get3A_3 : vector<128x128xf32> -> vector<128x128xi32>
    %bitcast_convert_type3A_10 = tpu.bitcast %get3A_6 : vector<128x128xf32> -> vector<128x128xi32>
    %shift_right_arithmetic3A = arith.constant 31 : i32
    %shift_right_arithmetic3A_11 = vector.broadcast %shift_right_arithmetic3A : i32 to vector<128x128xi32>
    %shift_right_arithmetic3A_12 = arith.shrsi %bitcast_convert_type3A, %shift_right_arithmetic3A_11 : vector<128x128xi32>
    %and3A = arith.constant 2147483647 : i32
    %and3A_13 = vector.broadcast %and3A : i32 to vector<128x128xi32>
    %and3A_14 = arith.andi %shift_right_arithmetic3A_12, %and3A_13 : vector<128x128xi32>
    %xor3A = arith.xori %bitcast_convert_type3A, %and3A_14 : vector<128x128xi32>
    %shift_right_arithmetic3A_15 = arith.constant 31 : i32
    %shift_right_arithmetic3A_16 = vector.broadcast %shift_right_arithmetic3A_15 : i32 to vector<128x128xi32>
    %shift_right_arithmetic3A_17 = arith.shrsi %bitcast_convert_type3A_10, %shift_right_arithmetic3A_16 : vector<128x128xi32>
    %and3A_18 = arith.constant 2147483647 : i32
    %and3A_19 = vector.broadcast %and3A_18 : i32 to vector<128x128xi32>
    %and3A_20 = arith.andi %shift_right_arithmetic3A_17, %and3A_19 : vector<128x128xi32>
    %xor3A_21 = arith.xori %bitcast_convert_type3A_10, %and3A_20 : vector<128x128xi32>
    %scan3A = arith.constant -2147483648 : i32
    %scan3A_22 = arith.constant 0 : i32
    %scan3A_23 = arith.constant 0 : i32
    %scan3A_24 = arith.constant 0 : i32
    %scan3A_25 = arith.constant 32 : i32
    %scan3A_26 = arith.addi %scan3A_24, %scan3A_25 : i32
    %scan3A_27 = arith.constant 1 : i32
    %scan3A_28:2 = scf.for %scan3A_112 = %scan3A_24 to %scan3A_26 step %scan3A_27 iter_args(%scan3A_113 = %scan3A_22, %scan3A_114 = %scan3A_23) -> (i32, i32)  : i32 {
      %sub3A_115 = arith.constant 31 : i32
      %sub3A_116 = arith.subi %sub3A_115, %scan3A_112 : i32
      %shift_left3A = arith.constant 1 : i32
      %shift_left3A_117 = arith.shli %shift_left3A, %sub3A_116 : i32
      %or3A_118 = arith.ori %scan3A_113, %shift_left3A_117 : i32
      %or3A_119 = arith.ori %scan3A_114, %shift_left3A_117 : i32
      %xor3A_120 = arith.xori %or3A_118, %scan3A : i32
      %lt3A_121 = vector.broadcast %xor3A_120 : i32 to vector<128x128xi32>
      %lt3A_122 = arith.cmpi slt, %xor3A, %lt3A_121 : vector<128x128xi32>
      %convert_element_type3A_123 = arith.extui %lt3A_122 : vector<128x128xi1> to vector<128x128xi32>
      %reduce_sum3A_124 = vector.shape_cast %convert_element_type3A_123 : vector<128x128xi32> to vector<1x128x128xi32>
      %reduce_sum3A_125 = arith.constant dense<0> : vector<1xi32>
      %reduce_sum3A_126 = vector.multi_reduction <add>, %reduce_sum3A_124, %reduce_sum3A_125 [1, 2] : vector<1x128x128xi32> to vector<1xi32>
      %reduce_sum3A_127 = vector.shape_cast %reduce_sum3A_126 : vector<1xi32> to vector<1x1x1xi32>
      %reduce_sum3A_128 = vector.extract %reduce_sum3A_127[0, 0, 0] : i32 from vector<1x1x1xi32>
      %xor3A_129 = arith.xori %or3A_119, %scan3A : i32
      %lt3A_130 = vector.broadcast %xor3A_129 : i32 to vector<128x128xi32>
      %lt3A_131 = arith.cmpi slt, %xor3A_21, %lt3A_130 : vector<128x128xi32>
      %convert_element_type3A_132 = arith.extui %lt3A_131 : vector<128x128xi1> to vector<128x128xi32>
      %reduce_sum3A_133 = vector.shape_cast %convert_element_type3A_132 : vector<128x128xi32> to vector<1x128x128xi32>
      %reduce_sum3A_134 = arith.constant dense<0> : vector<1xi32>
      %reduce_sum3A_135 = vector.multi_reduction <add>, %reduce_sum3A_133, %reduce_sum3A_134 [1, 2] : vector<1x128x128xi32> to vector<1xi32>
      %reduce_sum3A_136 = vector.shape_cast %reduce_sum3A_135 : vector<1xi32> to vector<1x1x1xi32>
      %reduce_sum3A_137 = vector.extract %reduce_sum3A_136[0, 0, 0] : i32 from vector<1x1x1xi32>
      %lt3A_138 = arith.cmpi slt, %reduce_sum3A_128, %get3A_0 : i32
      %select_n3A_139 = arith.select %lt3A_138, %or3A_118, %scan3A_113 : i32
      %lt3A_140 = arith.cmpi slt, %reduce_sum3A_137, %get3A_0 : i32
      %select_n3A_141 = arith.select %lt3A_140, %or3A_119, %scan3A_114 : i32
      scf.yield %select_n3A_139, %select_n3A_141 : i32, i32
    }
    %scan3A_29 = arith.constant 32 : i32
    %xor3A_30 = arith.constant -2147483648 : i32
    %xor3A_31 = arith.xori %scan3A_28#0, %xor3A_30 : i32
    %xor3A_32 = arith.constant -2147483648 : i32
    %xor3A_33 = arith.xori %scan3A_28#1, %xor3A_32 : i32
    %lt3A = vector.broadcast %xor3A_31 : i32 to vector<128x128xi32>
    %lt3A_34 = arith.cmpi slt, %xor3A, %lt3A : vector<128x128xi32>
    %lt3A_35 = vector.broadcast %xor3A_33 : i32 to vector<128x128xi32>
    %lt3A_36 = arith.cmpi slt, %xor3A_21, %lt3A_35 : vector<128x128xi32>
    %eq3A = vector.broadcast %xor3A_31 : i32 to vector<128x128xi32>
    %eq3A_37 = arith.cmpi eq, %xor3A, %eq3A : vector<128x128xi32>
    %eq3A_38 = vector.broadcast %xor3A_33 : i32 to vector<128x128xi32>
    %eq3A_39 = arith.cmpi eq, %xor3A_21, %eq3A_38 : vector<128x128xi32>
    %convert_element_type3A = arith.extui %lt3A_34 : vector<128x128xi1> to vector<128x128xi32>
    %reduce_sum3A = vector.shape_cast %convert_element_type3A : vector<128x128xi32> to vector<1x128x128xi32>
    %reduce_sum3A_40 = arith.constant dense<0> : vector<1xi32>
    %reduce_sum3A_41 = vector.multi_reduction <add>, %reduce_sum3A, %reduce_sum3A_40 [1, 2] : vector<1x128x128xi32> to vector<1xi32>
    %reduce_sum3A_42 = vector.shape_cast %reduce_sum3A_41 : vector<1xi32> to vector<1x1x1xi32>
    %reduce_sum3A_43 = vector.extract %reduce_sum3A_42[0, 0, 0] : i32 from vector<1x1x1xi32>
    %sub3A = arith.subi %get3A_0, %reduce_sum3A_43 : i32
    %convert_element_type3A_44 = arith.extui %lt3A_36 : vector<128x128xi1> to vector<128x128xi32>
    %reduce_sum3A_45 = vector.shape_cast %convert_element_type3A_44 : vector<128x128xi32> to vector<1x128x128xi32>
    %reduce_sum3A_46 = arith.constant dense<0> : vector<1xi32>
    %reduce_sum3A_47 = vector.multi_reduction <add>, %reduce_sum3A_45, %reduce_sum3A_46 [1, 2] : vector<1x128x128xi32> to vector<1xi32>
    %reduce_sum3A_48 = vector.shape_cast %reduce_sum3A_47 : vector<1xi32> to vector<1x1x1xi32>
    %reduce_sum3A_49 = vector.extract %reduce_sum3A_48[0, 0, 0] : i32 from vector<1x1x1xi32>
    %sub3A_50 = arith.subi %get3A_0, %reduce_sum3A_49 : i32
    %iota3A = tpu.iota {dimensions = array<i32: 0>} : vector<128x128xi32>
    %mul3A = arith.constant 128 : i32
    %mul3A_51 = vector.broadcast %mul3A : i32 to vector<128x128xi32>
    %mul3A_52 = arith.muli %iota3A, %mul3A_51 : vector<128x128xi32>
    %iota3A_53 = tpu.iota {dimensions = array<i32: 1>} : vector<128x128xi32>
    %add3A = arith.addi %mul3A_52, %iota3A_53 : vector<128x128xi32>
    %scan3A_54 = arith.constant 0 : i32
    %scan3A_55 = arith.constant 0 : i32
    %scan3A_56 = arith.constant 0 : i32
    %scan3A_57 = arith.constant 14 : i32
    %scan3A_58 = arith.addi %scan3A_56, %scan3A_57 : i32
    %scan3A_59 = arith.constant 1 : i32
    %scan3A_60:2 = scf.for %scan3A_112 = %scan3A_56 to %scan3A_58 step %scan3A_59 iter_args(%scan3A_113 = %scan3A_54, %scan3A_114 = %scan3A_55) -> (i32, i32)  : i32 {
      %sub3A_115 = arith.constant 13 : i32
      %sub3A_116 = arith.subi %sub3A_115, %scan3A_112 : i32
      %shift_left3A = arith.constant 1 : i32
      %shift_left3A_117 = arith.shli %shift_left3A, %sub3A_116 : i32
      %or3A_118 = arith.ori %scan3A_113, %shift_left3A_117 : i32
      %or3A_119 = arith.ori %scan3A_114, %shift_left3A_117 : i32
      %lt3A_120 = vector.broadcast %or3A_118 : i32 to vector<128x128xi32>
      %lt3A_121 = arith.cmpi slt, %add3A, %lt3A_120 : vector<128x128xi32>
      %and3A_122 = arith.andi %eq3A_37, %lt3A_121 : vector<128x128xi1>
      %convert_element_type3A_123 = arith.extui %and3A_122 : vector<128x128xi1> to vector<128x128xi32>
      %reduce_sum3A_124 = vector.shape_cast %convert_element_type3A_123 : vector<128x128xi32> to vector<1x128x128xi32>
      %reduce_sum3A_125 = arith.constant dense<0> : vector<1xi32>
      %reduce_sum3A_126 = vector.multi_reduction <add>, %reduce_sum3A_124, %reduce_sum3A_125 [1, 2] : vector<1x128x128xi32> to vector<1xi32>
      %reduce_sum3A_127 = vector.shape_cast %reduce_sum3A_126 : vector<1xi32> to vector<1x1x1xi32>
      %reduce_sum3A_128 = vector.extract %reduce_sum3A_127[0, 0, 0] : i32 from vector<1x1x1xi32>
      %lt3A_129 = vector.broadcast %or3A_119 : i32 to vector<128x128xi32>
      %lt3A_130 = arith.cmpi slt, %add3A, %lt3A_129 : vector<128x128xi32>
      %and3A_131 = arith.andi %eq3A_39, %lt3A_130 : vector<128x128xi1>
      %convert_element_type3A_132 = arith.extui %and3A_131 : vector<128x128xi1> to vector<128x128xi32>
      %reduce_sum3A_133 = vector.shape_cast %convert_element_type3A_132 : vector<128x128xi32> to vector<1x128x128xi32>
      %reduce_sum3A_134 = arith.constant dense<0> : vector<1xi32>
      %reduce_sum3A_135 = vector.multi_reduction <add>, %reduce_sum3A_133, %reduce_sum3A_134 [1, 2] : vector<1x128x128xi32> to vector<1xi32>
      %reduce_sum3A_136 = vector.shape_cast %reduce_sum3A_135 : vector<1xi32> to vector<1x1x1xi32>
      %reduce_sum3A_137 = vector.extract %reduce_sum3A_136[0, 0, 0] : i32 from vector<1x1x1xi32>
      %lt3A_138 = arith.cmpi slt, %reduce_sum3A_128, %sub3A : i32
      %select_n3A_139 = arith.select %lt3A_138, %or3A_118, %scan3A_113 : i32
      %lt3A_140 = arith.cmpi slt, %reduce_sum3A_137, %sub3A_50 : i32
      %select_n3A_141 = arith.select %lt3A_140, %or3A_119, %scan3A_114 : i32
      scf.yield %select_n3A_139, %select_n3A_141 : i32, i32
    }
    %scan3A_61 = arith.constant 14 : i32
    %le3A = vector.broadcast %scan3A_60#0 : i32 to vector<128x128xi32>
    %le3A_62 = arith.cmpi sle, %add3A, %le3A : vector<128x128xi32>
    %and3A_63 = arith.andi %eq3A_37, %le3A_62 : vector<128x128xi1>
    %or3A = arith.ori %lt3A_34, %and3A_63 : vector<128x128xi1>
    %le3A_64 = vector.broadcast %scan3A_60#1 : i32 to vector<128x128xi32>
    %le3A_65 = arith.cmpi sle, %add3A, %le3A_64 : vector<128x128xi32>
    %and3A_66 = arith.andi %eq3A_39, %le3A_65 : vector<128x128xi1>
    %or3A_67 = arith.ori %lt3A_36, %and3A_66 : vector<128x128xi1>
    %convert_element_type3A_68 = arith.sitofp %get3A_0 : i32 to f32
    %jit3A = arith.constant 0.000000e+00 : f32
    %broadcast_in_dim3A = vector.broadcast %jit3A : f32 to vector<128x128xf32>
    %select_n3A = arith.select %or3A_67, %get3A_3, %broadcast_in_dim3A : vector<128x128xi1>, vector<128x128xf32>
    %reduce_sum3A_69 = vector.shape_cast %select_n3A : vector<128x128xf32> to vector<1x128x128xf32>
    %reduce_sum3A_70 = arith.constant dense<0.000000e+00> : vector<1xf32>
    %reduce_sum3A_71 = vector.multi_reduction <add>, %reduce_sum3A_69, %reduce_sum3A_70 [1, 2] : vector<1x128x128xf32> to vector<1xf32>
    %reduce_sum3A_72 = vector.shape_cast %reduce_sum3A_71 : vector<1xf32> to vector<1x1x1xf32>
    %reduce_sum3A_73 = vector.extract %reduce_sum3A_72[0, 0, 0] : f32 from vector<1x1x1xf32>
    %div3A = arith.divf %reduce_sum3A_73, %convert_element_type3A_68 : f32
    %swap3A = arith.constant 0 : index
    %swap3A_74 = arith.constant 0 : index
    %swap3A_75 = memref.load %arg4[%swap3A, %swap3A_74] : memref<1x1xf32, #tpu.memory_space<smem>>
    memref.store %div3A, %arg4[%swap3A, %swap3A_74] : memref<1x1xf32, #tpu.memory_space<smem>>
    %jit3A_76 = arith.constant 0.000000e+00 : f32
    %broadcast_in_dim3A_77 = vector.broadcast %jit3A_76 : f32 to vector<128x128xf32>
    %select_n3A_78 = arith.select %or3A, %get3A_6, %broadcast_in_dim3A_77 : vector<128x128xi1>, vector<128x128xf32>
    %reduce_sum3A_79 = vector.shape_cast %select_n3A_78 : vector<128x128xf32> to vector<1x128x128xf32>
    %reduce_sum3A_80 = arith.constant dense<0.000000e+00> : vector<1xf32>
    %reduce_sum3A_81 = vector.multi_reduction <add>, %reduce_sum3A_79, %reduce_sum3A_80 [1, 2] : vector<1x128x128xf32> to vector<1xf32>
    %reduce_sum3A_82 = vector.shape_cast %reduce_sum3A_81 : vector<1xf32> to vector<1x1x1xf32>
    %reduce_sum3A_83 = vector.extract %reduce_sum3A_82[0, 0, 0] : f32 from vector<1x1x1xf32>
    %div3A_84 = arith.divf %reduce_sum3A_83, %convert_element_type3A_68 : f32
    %swap3A_85 = arith.constant 0 : index
    %swap3A_86 = arith.constant 0 : index
    %swap3A_87 = memref.load %arg5[%swap3A_85, %swap3A_86] : memref<1x1xf32, #tpu.memory_space<smem>>
    memref.store %div3A_84, %arg5[%swap3A_85, %swap3A_86] : memref<1x1xf32, #tpu.memory_space<smem>>
    %jit3A_88 = arith.constant 0.000000e+00 : f32
    %broadcast_in_dim3A_89 = vector.broadcast %jit3A_88 : f32 to vector<128x128xf32>
    %select_n3A_90 = arith.select %or3A, %get3A_9, %broadcast_in_dim3A_89 : vector<128x128xi1>, vector<128x128xf32>
    %reduce_sum3A_91 = vector.shape_cast %select_n3A_90 : vector<128x128xf32> to vector<1x128x128xf32>
    %reduce_sum3A_92 = arith.constant dense<0.000000e+00> : vector<1xf32>
    %reduce_sum3A_93 = vector.multi_reduction <add>, %reduce_sum3A_91, %reduce_sum3A_92 [1, 2] : vector<1x128x128xf32> to vector<1xf32>
    %reduce_sum3A_94 = vector.shape_cast %reduce_sum3A_93 : vector<1xf32> to vector<1x1x1xf32>
    %reduce_sum3A_95 = vector.extract %reduce_sum3A_94[0, 0, 0] : f32 from vector<1x1x1xf32>
    %div3A_96 = arith.divf %reduce_sum3A_95, %convert_element_type3A_68 : f32
    %swap3A_97 = arith.constant 0 : index
    %swap3A_98 = arith.constant 0 : index
    %swap3A_99 = memref.load %arg6[%swap3A_97, %swap3A_98] : memref<1x1xf32, #tpu.memory_space<smem>>
    memref.store %div3A_96, %arg6[%swap3A_97, %swap3A_98] : memref<1x1xf32, #tpu.memory_space<smem>>
    %jit3A_100 = arith.constant 0.000000e+00 : f32
    %broadcast_in_dim3A_101 = vector.broadcast %jit3A_100 : f32 to vector<128x128xf32>
    %select_n3A_102 = arith.select %or3A_67, %get3A_9, %broadcast_in_dim3A_101 : vector<128x128xi1>, vector<128x128xf32>
    %reduce_sum3A_103 = vector.shape_cast %select_n3A_102 : vector<128x128xf32> to vector<1x128x128xf32>
    %reduce_sum3A_104 = arith.constant dense<0.000000e+00> : vector<1xf32>
    %reduce_sum3A_105 = vector.multi_reduction <add>, %reduce_sum3A_103, %reduce_sum3A_104 [1, 2] : vector<1x128x128xf32> to vector<1xf32>
    %reduce_sum3A_106 = vector.shape_cast %reduce_sum3A_105 : vector<1xf32> to vector<1x1x1xf32>
    %reduce_sum3A_107 = vector.extract %reduce_sum3A_106[0, 0, 0] : f32 from vector<1x1x1xf32>
    %div3A_108 = arith.divf %reduce_sum3A_107, %convert_element_type3A_68 : f32
    %swap3A_109 = arith.constant 0 : index
    %swap3A_110 = arith.constant 0 : index
    %swap3A_111 = memref.load %arg7[%swap3A_109, %swap3A_110] : memref<1x1xf32, #tpu.memory_space<smem>>
    memref.store %div3A_108, %arg7[%swap3A_109, %swap3A_110] : memref<1x1xf32, #tpu.memory_space<smem>>
    return
  }
}

</mosaic_0001>

<sc_bundles>
// kernel: kernel.5.cloned.1.call-start
scs
__scs_entry_jumppad:
0x0: {  	(pc) =	sbr.rel $0x88, $3  }
0x1: {  	(tag) =	ssettag $0x0;
	lr =	simm.s32 $0x1  }
0x2: {  	[smem:$0x3F9B] =	sst lr;
	_ =	strace $0xD0000000  }
0x3: {  	_ = 	snop  }
0x4: {  	_ = 	snop  }
0x5: {  	_ = 	snop  }
0x6: {  	_ = 	snop  }
0x7: {  	_ = 	snop  }
__scs_overlays_trampoline_lowered:
0x8: {  	[smem:$0x3FAA] =	sst s0  }
0x9: {  	[smem:$0x3FAB] =	sst s1  }
0xa: {  	[smem:$0x3FAC] =	sst s2  }
0xb: {  	[smem:$0x3FAD] =	sst s3  }
0xc: {  	[smem:$0x3FAE] =	sst s4  }
0xd: {  	[smem:$0x3FAF] =	sst s5  }
0xe: {  	[smem:$0x3FB0] =	sst s6  }
0xf: {  	[smem:$0x3FB1] =	sst s7  }
0x10: {  	[smem:$0x3FB2] =	sst s8  }
0x11: {  	[smem:$0x3FB3] =	sst s9;
	s0 =	simm.s32 @!p0 $0x0  }
0x12: {  	s1 =	sld [smem:$0x3F99];
	s0 =	simm.s32 @p0 $0x1  }
0x13: {  	[smem:$0x3FB4] =	sst s0;
	s0 =	simm.s32 @!p1 $0x0  }
0x14: {  	s2 =	sld [smem:$0x3F98];
	s0 =	simm.s32 @p1 $0x1  }
0x15: {  	[smem:$0x3FB5] =	sst s0;
	s0 =	simm.s32 @!p2 $0x0  }
0x16: {  	s3 =	sld [smem:$0x3FDB];
	s0 =	simm.s32 @p2 $0x1  }
0x17: {  	s4 =	simm.s32 $0x1BF5;
	[smem:$0x3FB7] =	sst s0  }
0x18: {  	s0 =	sld [smem:$0x3F9A];
	_ =	swait.ge [sflag:s4], $0x0  }
0x19: {  	s7 =	sld [smem:$0x3F9B]  }
0x1a: {  	s8 =	sadd.s32 $0xFFFFE003, lr  }
0x1b: {  	s9 =	sadd.s32 $0xFFFFFEF7, lr;
	s5 =	simm.s32 $0xFFFFFFFF;
	p2 =	slt.u32 s8, $0xFFFFF086  }
0x1c: {  	p1 =	slt.u32 s9, $0xF7A;
	s5 =	simm.s32 @!p2 $0x0  }
0x1d: {  	s5 =	simm.s32 @p1 $0x1;
	p0 =	seq.s32 s7, s2  }
0x1e: {  	s7 =	smul.u32 @!p0 $0xF7A, s2;
	p2 =	seq.s32 @!p0 s5, $0x0  }
0x1f: {  	s9 =	smul.u32 $0xF7A, s1;
	s8 =	simm.s32 @!p0 $0x1BF5;
	p2 =	por !p2, p0  }
0x20: {  	[sflag:s8] =	ssyncset.s32 @!p0 $0xFFFFF086;
	s6 =	sadd.s32 @!p0 s3, s7;
	s7 =	simm.s32 @!p0 $0x108  }
0x21: {  	s3 =	sadd.s32 s3, s9;
	s6 =	sadd.s32 @!p0 $0x88, s6;
	s7 =	simm.s32 @p2 $0x1082  }
0x22: {  	[simem:s7], [sflag:s8] =	dma.local @!p0 [hbm:s6], $0xF7A  }
0x23: {  	s9 =	sor.u32 $0xD0000000, s2;
	s6 =	simm.s32 $0x108;
	_ =	swait.ge @!p0 [sflag:s8], $0x0  }
0x24: {  	s3 =	sadd.s32 $0x88, s3;
	s6 =	simm.s32 @!p1 $0x1082;
	[sflag:s4] =	ssyncset.s32 $0xFFFFF086  }
0x25: {  	[simem:s6], [sflag:s4] =	dma.local [hbm:s3], $0xF7A  }
0x26: {  	[smem:$0x3F9B] =	sst s1;
	(tag) =	ssettag s2;
	_ =	strace s9  }
0x27: {  	s1 =	sld [smem:$0x3FAB]  }
0x28: {  	s2 =	sld [smem:$0x3FAC]  }
0x29: {  	s4 =	sld [smem:$0x3FAE]  }
0x2a: {  	p0 =	seq.s32 s5, $0x0;
	s5 =	sld [smem:$0x3FAF]  }
0x2b: {  	s6 =	sld [smem:$0x3FB0]  }
0x2c: {  	s7 =	sld [smem:$0x3FB1]  }
0x2d: {  	s3 =	simm.s32 $0x108;
	s8 =	sld [smem:$0x3FB2]  }
0x2e: {  	s3 =	simm.s32 @!p0 $0x1082;
	s9 =	sld [smem:$0x3FB3]  }
0x2f: {  	lr =	sadd.s32 s0, s3;
	s0 =	sld [smem:$0x3FAA]  }
0x30: {  	s3 =	sld [smem:$0x3FAD]  }
0x31: {  	[smem:$0x3FB6] =	sst s10  }
0x32: {  	s10 =	sld [smem:$0x3FB4];
	_ =	sdelay $0x3  }
0x33: {  	p0 =	seq.s32 s10, $0x1;
	s10 =	sld [smem:$0x3FB6];
	_ =	sdelay $0x3  }
0x34: {  	[smem:$0x3FB6] =	sst s10  }
0x35: {  	s10 =	sld [smem:$0x3FB5];
	_ =	sdelay $0x3  }
0x36: {  	p1 =	seq.s32 s10, $0x1;
	s10 =	sld [smem:$0x3FB6];
	_ =	sdelay $0x3  }
0x37: {  	[smem:$0x3FB6] =	sst s10  }
0x38: {  	s10 =	sld [smem:$0x3FB7]  }
0x39: {  	_ = 	snop;
	(pc) =	sbr.ind lr, $3  }
0x3a: {  	_ = 	snop  }
0x3b: {  	_ = 	snop  }
0x3c: {  	p2 =	seq.s32 s10, $0x1;
	s10 =	sld [smem:$0x3FB6]  }
0x3d: {  	_ =	shalt  }
0x3e: {  	_ =	shalt  }
0x3f: {  	_ =	shalt  }
0x40: {  	_ =	shalt  }
0x41: {  	_ =	shalt  }
0x42: {  	_ =	shalt  }
0x43: {  	_ =	shalt  }
0x44: {  	_ =	shalt  }
0x45: {  	_ =	shalt  }
0x46: {  	_ =	shalt  }
0x47: {  	_ =	shalt  }
0x48: {  	_ =	shalt  }
0x49: {  	_ =	shalt  }
0x4a: {  	_ =	shalt  }
0x4b: {  	_ =	shalt  }
0x4c: {  	_ =	shalt  }
0x4d: {  	_ =	shalt  }
0x4e: {  	_ =	shalt  }
0x4f: {  	_ =	shalt  }
0x50: {  	_ =	shalt  }
0x51: {  	_ =	shalt  }
0x52: {  	_ =	shalt  }
0x53: {  	_ =	shalt  }
0x54: {  	_ =	shalt  }
0x55: {  	_ =	shalt  }
0x56: {  	_ =	shalt  }
0x57: {  	_ =	shalt  }
0x58: {  	_ =	shalt  }
0x59: {  	_ =	shalt  }
0x5a: {  	_ =	shalt  }
0x5b: {  	_ =	shalt  }
0x5c: {  	_ =	shalt  }
0x5d: {  	_ =	shalt  }
0x5e: {  	_ =	shalt  }
0x5f: {  	_ =	shalt  }
0x60: {  	_ =	shalt  }
0x61: {  	_ =	shalt  }
0x62: {  	_ =	shalt  }
0x63: {  	_ =	shalt  }
0x64: {  	_ =	shalt  }
0x65: {  	_ =	shalt  }
0x66: {  	_ =	shalt  }
0x67: {  	_ =	shalt  }
0x68: {  	_ =	shalt  }
0x69: {  	_ =	shalt  }
0x6a: {  	_ =	shalt  }
0x6b: {  	_ =	shalt  }
0x6c: {  	_ =	shalt  }
0x6d: {  	_ =	shalt  }
0x6e: {  	_ =	shalt  }
0x6f: {  	_ =	shalt  }
0x70: {  	_ =	shalt  }
0x71: {  	_ =	shalt  }
0x72: {  	_ =	shalt  }
0x73: {  	_ =	shalt  }
0x74: {  	_ =	shalt  }
0x75: {  	_ =	shalt  }
0x76: {  	_ =	shalt  }
0x77: {  	_ =	shalt  }
0x78: {  	_ =	shalt  }
0x79: {  	_ =	shalt  }
0x7a: {  	_ =	shalt  }
0x7b: {  	_ =	shalt  }
0x7c: {  	_ =	shalt  }
0x7d: {  	_ =	shalt  }
0x7e: {  	_ =	shalt  }
0x7f: {  	_ =	shalt  }
0x80: {  	_ =	shalt  }
0x81: {  	_ =	shalt  }
0x82: {  	_ =	shalt  }
0x83: {  	_ =	shalt  }
0x84: {  	_ =	shalt  }
0x85: {  	_ =	shalt  }
0x86: {  	_ =	shalt  }
0x87: {  	_ =	shalt  }
.Lfunc_end0:
.L_simem_size_0:
called_computation_lowered:
.L_overlay_start_0:
0x88: {  	s2 =	sld [smem:$0x3FD9]  }
0x89: {  	s3 =	sld [smem:$0x3FFE];
	_ =	sdelay $0x1  }
0x8a: {  	s1 =	srdreg.scid  }
0x8b: {  	s0 =	sand.u32 $0x1, s1  }
0x8c: {  	s17 =	sshll.u32 s0, $0xA;
	s2 =	sadd.s32 s3, s2  }
0x8d: {  	s2 =	sadd.s32 s2, s17  }
0x8e: {  	[smem:$0x3FC2] =	sst s2  }
0x8f: {  	_ = 	snop  }
0x90: {  	s2 =	sld [smem:$0x3FC5]  }
0x91: {  	s18 =	sld [smem:$0x3FC4];
	(tm) =	ssettm $0x1  }
0x92: {  	s4 =	sld [smem:$0x3FFB];
	_ =	sdelay $0x3  }
0x93: {  	_ =	strace s4  }
0x94: {  	s4 =	sld [smem:$0x3FFC];
	_ =	sdelay $0x3  }
0x95: {  	_ =	strace s4  }
0x96: {  	s4 =	sld [smem:$0x3FFD];
	_ =	sdelay $0x3  }
0x97: {  	_ =	strace s4  }
0x98: {  	_ =	strace $0x8FFFFFFF  }
0x99: {  	s19 =	sld [smem:$0x3FDB];
	_ =	sdelay $0x1  }
0x9a: {  	s5 =	simm.s32 $_scs_section_size  }
0x9b: {  	s6 =	simm.s32 $_size__tile_overlayer_lowered;
	s7 =	simm.s32 $_tile_overlayer_lowered  }
0x9c: {  	s22 =	simm.s32 $0x1BFF;
	s21 =	sshll.u32 s7, $0x1;
	s4 =	sadd.s32 s5, s19  }
0x9d: {  	s8 =	simm.s32 $0x0;
	s20 =	sshll.u32 s6, $0x1;
	s6 =	sadd.s32 s21, s4  }
0x9e: {  	[timem:s8], [sflag:s22] =	dma.local [hbm:s6], s20  }
0x9f: {  	_ =	swait.ge [sflag:s22], s20  }
0xa0: {  	s5 =	ssub.s32 $0x0, s20;
	[sflag:s22] =	ssyncset.done $0x0  }
0xa1: {  	[sflag:s22] =	ssyncadd.s32 s5;
	_ =	sdelay $0x1  }
0xa2: {  	s23 =	simm.s32 $0x1B8B  }
0xa3: {  	_ =	swait.ge [sflag:s23], $0x1  }
0xa4: {  	[sflag:s23] =	ssyncset.done $0x0  }
0xa5: {  	s25 =	simm.s32 $0x1B8E;
	s24 =	sld [smem:$0x3FFE];
	[sflag:s23] =	ssyncadd.s32 $0xFFFFFFFF  }
0xa6: {  	s26 =	simm.s32 $execute0_lowered;
	[smem:$0x3FD2] =	sst s25  }
0xa7: {  	s6 =	sshll.u32 s26, $0x1;
	_ =	strace $0x80000046;
	[dreg:$0x1] =	wrdreg $0xFFFFFFFF  }
0xa8: {  	s28 =	simm.s32 $_size_execute0_lowered;
	s4 =	sadd.s32 s4, s6;
	[dreg:$0x0] =	wrdreg $0x0  }
0xa9: {  	s6 =	sshll.u32 s28, $0x1;
	[dreg:$0x2] =	wrdreg s4  }
0xaa: {  	[dreg:$0x3] =	wrdreg s6  }
0xab: {  	[dreg:$0x4] =	wrdreg $0xC0  }
0xac: {  	_ =	task [dreg:s8], $0x5FFFF  }
0xad: {  	[dreg:$0x1] =	wrdreg $0xFFFFFFFF  }
0xae: {  	[dreg:$0x0] =	wrdreg $0x60  }
0xaf: {  	[dreg:$0x2] =	wrdreg s18  }
0xb0: {  	[dreg:$0x3] =	wrdreg s2  }
0xb1: {  	[dreg:$0x4] =	wrdreg s24  }
0xb2: {  	[dreg:$0x5] =	wrdreg $0x9  }
0xb3: {  	_ =	task.clear_ibuf [dreg:s8], $0x6FFFF;
	_ =	strace $0x90000046  }
0xb4: {  	s29 =	simm.s32 $0x9;
	_ =	strace $0x80000048  }
0xb5: {  	_ =	swait.ge [sflag:s29], $0x1  }
0xb6: {  	[sflag:s29] =	ssyncadd.s32 $0xFFFFFFFF  }
0xb7: {  	_ =	strace $0x90000048  }
0xb8: {  	_ =	sfence  }
0xb9: {  	s30 =	sld [smem:$0x0];
	_ =	sdelay $0x2  }
0xba: {  	s31 =	sshll.u32 s1, $0xD;
	s1 =	sshrl.u32 s1, $0x2  }
0xbb: {  	s3 =	sand.u32 $0x4000, s31;
	s1 =	sadd.s32 s1, s30  }
0xbc: {  	s0 =	sor.u32 s3, s0;
	s1 =	sshll.u32 s1, $0x11  }
0xbd: {  	s0 =	sor.u32 s1, s0  }
0xbe: {  	s0 =	sadd.s32 $0x8F2B, s0  }
0xbf: {  	[sflag:s0] =	ssyncadd.remote.s32 $0x1  }
0xc0: {  	_ =	sfence.sel $0xFFFF  }
0xc1: {  	[dreg:$0x0] =	wrdreg $0xFFFFFFFF;
	(pc) =	sbr.abs _section_cstart, $3  }
0xc2: {  	[dreg:$0x1] =	wrdreg $0xFFFFFFFF  }
0xc3: {  	_ =	task.clear_ibuf [dreg:s8], $0x2FFFF;
	_ =	strace $0x9FFFFFFF  }
0xc4: {  	(tm) =	ssettm $0x7FFFFFFF  }
0xc5: {  	_ =	shalt  }
tec
execute0_lowered:
.L_overlay_start_1:
0x0: {  	(tag) =	ssettag $0x1  }
0x1: {  	s2 =	rddreg [dreg:$0x0]  }
0x2: {  	s4 =	rddreg [dreg:$0x1]  }
0x3: {  	s8 =	rddreg [dreg:$0x2];
	s3 =	srdreg.scid  }
0x4: {  	s0 =	rddreg [dreg:$0x3];
	s1 =	stileid.u32;
	s6 =	sand.u32 $0x1, s3  }
0x5: {  	s3 =	simm.s32 $0x0;
	s5 =	sshll.u32 s1, $0x7;
	s7 =	sshll.u32 s6, $0x6  }
0x6: {  	[smem:$0x7FF] =	sst s3;
	s10 =	ssub.s32 $0x2, s6;
	s9 =	sor.u32 s7, s5  }
0x7: {  	_ =	strace $0x80000047;
	s5 =	sadd.s32 s4, s9;
	s4 =	simm.s32 $0x2  }
0x8: {  	[tilespmem:s3], [sflag:$0x2] =	stream.linear.gather [hbm4b:s5+s3], $0x200, $0x38;
	[tilespmem:$0x400] =	vst v63  }
0x9: {  	s11 =	sshrl.u32 s10, $0x1;
	_ =	swait.ge [sflag:s4], $0x200  }
0xa: {  	s6 =	simm.s32 $0x200;
	s10 =	ssub.s32 s10, s11;
	[sflag:s4] =	ssyncset.done $0x0  }
0xb: {  	s7 =	simm.s32 $0x1;
	s31 =	smax.u32 s10, $0x1;
	[sflag:s4] =	ssyncadd.s32 $0xFFFFFE00  }
0xc: {  	[tilespmem:s6], [sflag:$0x1] =	stream.indirect.gather [hbm4b:s2+s6], $0x1, s3, s6, $0xb8;
	[tilespmem:$0x400] =	vst v63  }
0xd: {  	p0 =	sne.s32 s31, $0x1;
	_ =	swait.ge [sflag:s7], $0x200  }
.Ltmp0:
0xe: {  	[sflag:s7] =	ssyncset.done $0x0;
	(pc) =	sbr.rel @!p0 .LBB2_2-.Ltmp0, $4  }
0xf: {  	s8 =	sadd.s32 s8, s9;
	[sflag:s7] =	ssyncadd.s32 $0xFFFFFE00  }
0x10: {  	[hbm4b:s8+s3] =	stream.linear.scatter [tilespmem:s6], [sflag:$0x2], $0x200, $0x38;
	[tilespmem:$0x400] =	vst v63  }
0x11: {  	_ =	swait.ge [sflag:s4], $0x200  }
0x12: {  	s9 =	sadd.s32 $0xFFFFFFFF, s31;
	[sflag:s4] =	ssyncset.done $0x0  }
.LBB2_1:
0x13: {  	p0 =	sne.s32 s9, $0x1;
	s9 =	sadd.s32 $0xFFFFFFFF, s9;
	[sflag:s4] =	ssyncadd.s32 $0xFFFFFE00  }
0x14: {  	[tilespmem:s3], [sflag:$0x2] =	stream.linear.gather [hbm4b:s5+s3], $0x200, $0x38;
	[tilespmem:$0x400] =	vst v63  }
0x15: {  	_ =	swait.ge [sflag:s4], $0x200  }
0x16: {  	[sflag:s4] =	ssyncset.done $0x0  }
0x17: {  	[sflag:s4] =	ssyncadd.s32 $0xFFFFFE00  }
0x18: {  	[tilespmem:s6], [sflag:$0x1] =	stream.indirect.gather [hbm4b:s2+s6], $0x1, s3, s6, $0xb8;
	[tilespmem:$0x400] =	vst v63  }
0x19: {  	_ =	swait.ge [sflag:s7], $0x200  }
.Ltmp1:
0x1a: {  	[sflag:s7] =	ssyncset.done $0x0;
	(pc) =	sbr.rel @p0 .LBB2_1-.Ltmp1, $4  }
0x1b: {  	[sflag:s7] =	ssyncadd.s32 $0xFFFFFE00  }
0x1c: {  	[hbm4b:s8+s3] =	stream.linear.scatter [tilespmem:s6], [sflag:$0x2], $0x200, $0x38;
	[tilespmem:$0x400] =	vst v63  }
0x1d: {  	_ =	swait.ge [sflag:s4], $0x200  }
0x1e: {  	[sflag:s4] =	ssyncset.done $0x0  }
.LBB2_2:
0x1f: {  	[sflag:s4] =	ssyncadd.s32 $0xFFFFFE00  }
0x20: {  	_ =	sfence.sel $0x180000  }
0x21: {  	[bflag:$0x0] =	sbarrier.arrive $0xFFFF  }
0x22: {  	p0 =	sne.s32 s1, $0x0;
	_ =	strace $0x90000047  }
0x23: {  	s0 =	sadd.s32 @!p0 $0x100000, s0;
	[bflag:$0x2] =	sbarrier.arrive $0xFFFF  }
0x24: {  	[sflag:s0] =	ssyncadd.tile.s32 @!p0 $0x1;
	_ =	shalt  }
.Lfunc_end2:
_tile_overlayer_lowered:
.L_overlay_start_2:
0x25: {  	(tag) =	ssettag $0x2  }
0x26: {  	s0 =	rddreg [dreg:$0x0];
	s2 =	stileid.u32  }
0x27: {  	s1 =	rddreg [dreg:$0x1];
	p0 =	sne.s32 s2, $0x0  }
0x28: {  	s3 =	rddreg [dreg:$0x2];
	[bflag:$0x3] =	sbarrier.arrive $0xFFFF;
	s2 =	simm.s32 @!p0 $0x1C02  }
0x29: {  	[timem:s3], [sflag:s2] =	dma.local @!p0 [hbm:s0], s1  }
0x2a: {  	s0 =	simm.s32 @!p0 $0x2  }
0x2b: {  	_ =	swait.ge @!p0 [sflag:s0], s1  }
0x2c: {  	s1 =	ssub.s32 @!p0 $0x0, s1;
	[sflag:s0] =	ssyncset.done @!p0 $0x0  }
0x2d: {  	[sflag:s0] =	ssyncadd.s32 @!p0 s1  }
0x2e: {  	[bflag:$0x3] =	sbarrier.arrive $0xFFFF  }
0x2f: {  	_ =	shalt  }

</sc_bundles>
